<compile_context>
chip_gen: v7x
topology: tpu7x:2x2x1
jax: 0.10.2.dev20260603
libtpu: 0.0.44.dev20260713+nightly
codegen_flags: <defaults>
</compile_context>

<pallas_src>
import functools

import jax
import jax.numpy as jnp
from jax import lax
from jax.experimental import pallas as pl
from jax.experimental.pallas import tpu as pltpu
from jax.experimental.pallas import tpu_sc as plsc

NC = 2
NS = 16
CH = 128


def _sc_segment_sum(src3, dst3, h, zeros, n_acc, rpt, nch, hd):
    mesh = plsc.VectorSubcoreMesh(
        core_axis_name="c", subcore_axis_name="s", num_cores=NC, num_subcores=NS
    )

    def body(src_hbm, dst_hbm, h_hbm, zeros_hbm, out_hbm,
             src_v, dst_v, buf0, buf1, acc, sg0, sg1, st0, st1):
        c = lax.axis_index("c")
        s = lax.axis_index("s")
        my_h = h_hbm.at[c]
        bufs = (buf0, buf1)
        sg = (sg0, sg1)

        def gather(j, b):
            pltpu.async_copy(my_h.at[src_v.at[j]], bufs[b], sg[b])

        def gather_wait(j, b):
            pltpu.make_async_copy(my_h.at[src_v.at[j]], bufs[b], sg[b]).wait()

        src_stage = pltpu.async_copy(src_hbm.at[s], src_v, st0)
        dst_stage = pltpu.async_copy(dst_hbm.at[s], dst_v, st1)
        src_stage.wait()

        gather(0, 0)
        gather(1, 1)

        pltpu.sync_copy(zeros_hbm, acc.at[pl.ds(s * rpt, rpt)])
        dst_stage.wait()
        plsc.subcore_barrier()

        def steady(k, carry):
            for b in range(2):
                i = 2 * k + b
                gather_wait(i, b)
                pltpu.sync_copy(bufs[b], acc.at[dst_v.at[i]], add=True)
                gather(i + 2, b)
            return carry

        lax.fori_loop(0, nch // 2 - 1, steady, 0)

        for b in range(2):
            i = nch - 2 + b
            gather_wait(i, b)
            pltpu.sync_copy(bufs[b], acc.at[dst_v.at[i]], add=True)

        plsc.subcore_barrier()
        pltpu.sync_copy(acc.at[pl.ds(s * rpt, rpt)],
                        out_hbm.at[c, pl.ds(s * rpt, rpt)])

    fn = pl.kernel(
        body,
        out_type=jax.ShapeDtypeStruct((NC, n_acc, hd), jnp.float32),
        mesh=mesh,
        scratch_types=[
            pltpu.VMEM((nch, CH), jnp.int32),
            pltpu.VMEM((nch, CH), jnp.int32),
            pltpu.VMEM((CH, hd), jnp.float32),
            pltpu.VMEM((CH, hd), jnp.float32),
            pltpu.VMEM_SHARED((n_acc, hd), jnp.float32),
            pltpu.SemaphoreType.DMA,
            pltpu.SemaphoreType.DMA,
            pltpu.SemaphoreType.DMA,
            pltpu.SemaphoreType.DMA,
        ],
        compiler_params=pltpu.CompilerParams(use_tc_tiling_on_sc=False),
    )
    return fn(src3, dst3, h, zeros)


def _tc_body(pad_cnt, h_ref, p_ref, ws_ref, wn_ref, bs_ref, bn_ref, g_ref, be_ref,
             out_ref):
    x = h_ref[...]
    hd = p_ref.shape[2] // 2
    halves = []
    for c in range(p_ref.shape[0]):
        xc = p_ref[c]
        halves.append(
            jnp.stack([xc[:, :hd], xc[:, hd:]], axis=1).reshape(-1, hd))
    p = jnp.concatenate(halves, axis=1)
    if pad_cnt:
        row0 = (lax.broadcasted_iota(jnp.int32, (p.shape[0], 1), 0) == 0) & (
            pl.program_id(0) == 0)
        p = p - jnp.where(row0, jnp.float32(pad_cnt), 0.0) * x
    sh = jnp.dot(x, ws_ref[...], preferred_element_type=jnp.float32) + bs_ref[...]
    nh = jnp.dot(p, wn_ref[...], preferred_element_type=jnp.float32) + bn_ref[...]
    cat = jnp.concatenate([sh, nh], axis=1)
    mu = jnp.mean(cat, axis=1, keepdims=True)
    var = jnp.mean((cat - mu) * (cat - mu), axis=1, keepdims=True)
    out_ref[...] = (cat - mu) * lax.rsqrt(var + 1e-5) * g_ref[...] + be_ref[...]


def kernel(edge_index, h, W_self, b_self, W_neigh, b_neigh, gamma, beta):
    n, d = h.shape
    o = W_self.shape[1]
    e = edge_index.shape[1]
    hd = d // NC

    nch = -(-e // (NS * CH))
    nch += nch % 2
    e_pad = NS * CH * nch
    pad_cnt = e_pad - e
    ei = jnp.pad(edge_index, ((0, 0), (0, pad_cnt)))
    src3 = ei[1].reshape(NS, nch, CH)
    dst3 = ei[0].reshape(NS, nch, CH)
    h2 = jnp.transpose(h.reshape(n, NC, hd), (1, 0, 2))

    rpt = 8 * (-(-(n + 1) // (NS * 8)))
    n_acc = NS * rpt
    zeros = jnp.zeros((rpt, hd), jnp.float32)

    partial = _sc_segment_sum(src3, dst3, h2, zeros, n_acc, rpt, nch, hd)
    partial = partial.reshape(NC, n_acc // 2, 2 * hd)

    blk = 2000
    grid = n // blk
    out = pl.pallas_call(
        functools.partial(_tc_body, pad_cnt),
        grid=(grid,),
        in_specs=[
            pl.BlockSpec((blk, d), lambda i: (i, 0)),
            pl.BlockSpec((NC, blk // 2, 2 * hd), lambda i: (0, i, 0)),
            pl.BlockSpec((d, o), lambda i: (0, 0)),
            pl.BlockSpec((d, o), lambda i: (0, 0)),
            pl.BlockSpec((1, o), lambda i: (0, 0)),
            pl.BlockSpec((1, o), lambda i: (0, 0)),
            pl.BlockSpec((1, 2 * o), lambda i: (0, 0)),
            pl.BlockSpec((1, 2 * o), lambda i: (0, 0)),
        ],
        out_specs=pl.BlockSpec((blk, 2 * o), lambda i: (i, 0)),
        out_shape=jax.ShapeDtypeStruct((n, 2 * o), jnp.float32),
    )(h, partial, W_self, W_neigh, b_self.reshape(1, o), b_neigh.reshape(1, o),
      gamma.reshape(1, 2 * o), beta.reshape(1, 2 * o))
    return out

# --- scband reference (transcript-rebuilt; emitter-appended) ---
"""Pipeline reference for scband-sageconv-81131932221713 (READ-ONLY COPY).

The authoritative reference and input builder live on the scoring server;
editing this copy changes nothing except your own understanding.
"""

import jax, jax.numpy as jnp
import numpy as np

N = 10000
E = 320000
D = 128
O = 128


def setup_inputs(seed: int = 0) -> dict:
    key = jax.random.key(seed)
    k1, k2, k3, k4 = jax.random.split(key, 4)
    h = jax.random.normal(k1, (N, D), dtype=jnp.float32)
    edge_index = jax.random.randint(k2, (2, E), 0, N, dtype=jnp.int32)
    # Linear self: weight [D, O] (stored as in x out for h @ W), bias [O]
    W_self = jax.random.normal(k3, (D, O), dtype=jnp.float32) * (1.0 / np.sqrt(D))
    b_self = jnp.zeros((O,), dtype=jnp.float32)
    W_neigh = jax.random.normal(k4, (D, O), dtype=jnp.float32) * (1.0 / np.sqrt(D))
    b_neigh = jnp.zeros((O,), dtype=jnp.float32)
    # LayerNorm over concatenated dim 2*O, elementwise affine
    gamma = jnp.ones((2 * O,), dtype=jnp.float32)
    beta = jnp.zeros((2 * O,), dtype=jnp.float32)
    return {"edge_index": edge_index, "h": h, "W_self": W_self, "b_self": b_self,
            "W_neigh": W_neigh, "b_neigh": b_neigh, "gamma": gamma, "beta": beta}


def reference(edge_index, h, W_self, b_self, W_neigh, b_neigh, gamma, beta):
    # adj.spmm(h): binary adjacency, row i accumulates features of its neighbors.
    # edge_index[0] = dst (row), edge_index[1] = src (col)
    dst = edge_index[0]
    src = edge_index[1]
    n = h.shape[0]
    support = jax.ops.segment_sum(jnp.take(h, src, axis=0), dst, num_segments=n)
    # out_nodes = adj.sizes()[0] == n here (square adjacency)
    self_h = h[:n] @ W_self + b_self
    neigh_h = support @ W_neigh + b_neigh
    out = jnp.concatenate([self_h, neigh_h], axis=1)
    # activation is None -> skipped
    mu = jnp.mean(out, axis=-1, keepdims=True)
    var = jnp.mean((out - mu) ** 2, axis=-1, keepdims=True)
    out = (out - mu) / jnp.sqrt(var + 1e-5) * gamma + beta
    return out

if __name__ == "__main__":
    import jax
    _d = setup_inputs()
    print(jax.jit(kernel)(*tuple(_d.values())))

</pallas_src>

<mosaic_0001>
#map = affine_map<(d0, d1) -> (0, 0, 0)>
#map1 = affine_map<(d0, d1) -> (0, 0)>
module attributes {stable_mosaic.version = 14 : i64} {
  func.func @body(%arg0: i32, %arg1: i32, %arg2: memref<16x158x128xi32, #tpu.memory_space<hbm>>, %arg3: memref<16x158x128xi32, #tpu.memory_space<hbm>>, %arg4: memref<2x10000x64xf32, #tpu.memory_space<hbm>>, %arg5: memref<632x64xf32, #tpu.memory_space<hbm>>, %arg6: memref<2x10112x64xf32, #tpu.memory_space<hbm>>, %arg7: memref<158x128xi32, #tpu.memory_space<vmem>>, %arg8: memref<158x128xi32, #tpu.memory_space<vmem>>, %arg9: memref<128x64xf32, #tpu.memory_space<vmem>>, %arg10: memref<128x64xf32, #tpu.memory_space<vmem>>, %arg11: memref<10112x64xf32, #tpu.memory_space<vmem_shared>>, %arg12: memref<!tpu.dma_semaphore, #tpu.memory_space<semaphore_mem>>, %arg13: memref<!tpu.dma_semaphore, #tpu.memory_space<semaphore_mem>>, %arg14: memref<!tpu.dma_semaphore, #tpu.memory_space<semaphore_mem>>, %arg15: memref<!tpu.dma_semaphore, #tpu.memory_space<semaphore_mem>>) attributes {dimension_semantics = [#tpu.dimension_semantics<core_parallel>, #tpu.dimension_semantics<subcore_parallel>], iteration_bounds = array<i64: 2, 16>, scalar_prefetch = 0 : i64, scratch_operands = 9 : i64, tpu.core_type = #tpu.core_type<sc_vector_subcore>, window_params = [{transform_indices = #map}, {transform_indices = #map}, {transform_indices = #map}, {transform_indices = #map1}, {transform_indices = #map}]} {
    %dma_start3A = arith.constant 0 : i32
    %dma_start3A_0 = arith.constant 0 : i32
    %dma_start3A_1 = tpu.memref_slice %arg2[%arg1, %dma_start3A, %dma_start3A_0] : memref<16x158x128xi32, #tpu.memory_space<hbm>> -> memref<1x158x128xi32, #tpu.memory_space<hbm>>
    %dma_start3A_2 = tpu.memref_squeeze %dma_start3A_1 : memref<1x158x128xi32, #tpu.memory_space<hbm>> -> memref<158x128xi32, #tpu.memory_space<hbm>>
    %dma_start3A_3 = arith.constant 0 : i32
    %dma_start3A_4 = arith.constant 0 : i32
    %dma_start3A_5 = tpu.memref_slice %arg2[%arg1, %dma_start3A_3, %dma_start3A_4] : memref<16x158x128xi32, #tpu.memory_space<hbm>> -> memref<1x158x128xi32, #tpu.memory_space<hbm>>
    %dma_start3A_6 = tpu.memref_squeeze %dma_start3A_5 : memref<1x158x128xi32, #tpu.memory_space<hbm>> -> memref<158x128xi32, #tpu.memory_space<hbm>>
    tpu.enqueue_dma source(%dma_start3A_6 : memref<158x128xi32, #tpu.memory_space<hbm>>) target(%arg7 : memref<158x128xi32, #tpu.memory_space<vmem>>) target_semaphore(%arg14 : memref<!tpu.dma_semaphore, #tpu.memory_space<semaphore_mem>>)
    %dma_start3A_7 = arith.constant 0 : i32
    %dma_start3A_8 = arith.constant 0 : i32
    %dma_start3A_9 = tpu.memref_slice %arg3[%arg1, %dma_start3A_7, %dma_start3A_8] : memref<16x158x128xi32, #tpu.memory_space<hbm>> -> memref<1x158x128xi32, #tpu.memory_space<hbm>>
    %dma_start3A_10 = tpu.memref_squeeze %dma_start3A_9 : memref<1x158x128xi32, #tpu.memory_space<hbm>> -> memref<158x128xi32, #tpu.memory_space<hbm>>
    %dma_start3A_11 = arith.constant 0 : i32
    %dma_start3A_12 = arith.constant 0 : i32
    %dma_start3A_13 = tpu.memref_slice %arg3[%arg1, %dma_start3A_11, %dma_start3A_12] : memref<16x158x128xi32, #tpu.memory_space<hbm>> -> memref<1x158x128xi32, #tpu.memory_space<hbm>>
    %dma_start3A_14 = tpu.memref_squeeze %dma_start3A_13 : memref<1x158x128xi32, #tpu.memory_space<hbm>> -> memref<158x128xi32, #tpu.memory_space<hbm>>
    tpu.enqueue_dma source(%dma_start3A_14 : memref<158x128xi32, #tpu.memory_space<hbm>>) target(%arg8 : memref<158x128xi32, #tpu.memory_space<vmem>>) target_semaphore(%arg15 : memref<!tpu.dma_semaphore, #tpu.memory_space<semaphore_mem>>)
    %dma_wait3A = arith.constant 0 : i32
    %dma_wait3A_15 = arith.constant 0 : i32
    %dma_wait3A_16 = tpu.memref_slice %arg2[%arg1, %dma_wait3A, %dma_wait3A_15] : memref<16x158x128xi32, #tpu.memory_space<hbm>> -> memref<1x158x128xi32, #tpu.memory_space<hbm>>
    %dma_wait3A_17 = tpu.memref_squeeze %dma_wait3A_16 : memref<1x158x128xi32, #tpu.memory_space<hbm>> -> memref<158x128xi32, #tpu.memory_space<hbm>>
    %dma_wait3A_18 = arith.constant 0 : i32
    %dma_wait3A_19 = arith.constant 0 : i32
    %dma_wait3A_20 = tpu.memref_slice %arg2[%arg1, %dma_wait3A_18, %dma_wait3A_19] : memref<16x158x128xi32, #tpu.memory_space<hbm>> -> memref<1x158x128xi32, #tpu.memory_space<hbm>>
    %dma_wait3A_21 = tpu.memref_squeeze %dma_wait3A_20 : memref<1x158x128xi32, #tpu.memory_space<hbm>> -> memref<158x128xi32, #tpu.memory_space<hbm>>
    tpu.wait_dma2 semaphore(%arg14 : memref<!tpu.dma_semaphore, #tpu.memory_space<semaphore_mem>>) src(%dma_wait3A_21 : memref<158x128xi32, #tpu.memory_space<hbm>>) dst(%arg7 : memref<158x128xi32, #tpu.memory_space<vmem>>)
    %dma_start3A_22 = arith.constant 0 : i32
    %dma_start3A_23 = arith.constant 0 : i32
    %dma_start3A_24 = tpu.memref_slice %arg7[%dma_start3A_22, %dma_start3A_23] : memref<158x128xi32, #tpu.memory_space<vmem>> -> memref<1x128xi32, #tpu.memory_space<vmem>>
    %dma_start3A_25 = tpu.memref_squeeze %dma_start3A_24 : memref<1x128xi32, #tpu.memory_space<vmem>> -> memref<128xi32, #tpu.memory_space<vmem>>
    %dma_start3A_26 = arith.constant 0 : i32
    %dma_start3A_27 = arith.constant 0 : i32
    %dma_start3A_28 = tpu.memref_slice %arg4[%arg0, %dma_start3A_26, %dma_start3A_27] : memref<2x10000x64xf32, #tpu.memory_space<hbm>> -> memref<1x10000x64xf32, #tpu.memory_space<hbm>>
    %dma_start3A_29 = tpu.memref_squeeze %dma_start3A_28 : memref<1x10000x64xf32, #tpu.memory_space<hbm>> -> memref<10000x64xf32, #tpu.memory_space<hbm>>
    %dma_start3A_30 = arith.constant 0 : i32
    %dma_start3A_31 = arith.constant 0 : i32
    %dma_start3A_32 = tpu.memref_slice %dma_start3A_29[%dma_start3A_30, %dma_start3A_31] : memref<10000x64xf32, #tpu.memory_space<hbm>> -> memref<10000x64xf32, #tpu.memory_space<hbm>>
    tpu.enqueue_indirect_dma source(%dma_start3A_32 : memref<10000x64xf32, #tpu.memory_space<hbm>>) target(%arg9 : memref<128x64xf32, #tpu.memory_space<vmem>>) offsets(%dma_start3A_25 : memref<128xi32, #tpu.memory_space<vmem>>) semaphore(%arg12 : memref<!tpu.dma_semaphore, #tpu.memory_space<semaphore_mem>>)
    %dma_start3A_33 = arith.constant 1 : i32
    %dma_start3A_34 = arith.constant 0 : i32
    %dma_start3A_35 = tpu.memref_slice %arg7[%dma_start3A_33, %dma_start3A_34] : memref<158x128xi32, #tpu.memory_space<vmem>> -> memref<1x128xi32, #tpu.memory_space<vmem>>
    %dma_start3A_36 = tpu.memref_squeeze %dma_start3A_35 : memref<1x128xi32, #tpu.memory_space<vmem>> -> memref<128xi32, #tpu.memory_space<vmem>>
    %dma_start3A_37 = arith.constant 0 : i32
    %dma_start3A_38 = arith.constant 0 : i32
    %dma_start3A_39 = tpu.memref_slice %arg4[%arg0, %dma_start3A_37, %dma_start3A_38] : memref<2x10000x64xf32, #tpu.memory_space<hbm>> -> memref<1x10000x64xf32, #tpu.memory_space<hbm>>
    %dma_start3A_40 = tpu.memref_squeeze %dma_start3A_39 : memref<1x10000x64xf32, #tpu.memory_space<hbm>> -> memref<10000x64xf32, #tpu.memory_space<hbm>>
    %dma_start3A_41 = arith.constant 0 : i32
    %dma_start3A_42 = arith.constant 0 : i32
    %dma_start3A_43 = tpu.memref_slice %dma_start3A_40[%dma_start3A_41, %dma_start3A_42] : memref<10000x64xf32, #tpu.memory_space<hbm>> -> memref<10000x64xf32, #tpu.memory_space<hbm>>
    tpu.enqueue_indirect_dma source(%dma_start3A_43 : memref<10000x64xf32, #tpu.memory_space<hbm>>) target(%arg10 : memref<128x64xf32, #tpu.memory_space<vmem>>) offsets(%dma_start3A_36 : memref<128xi32, #tpu.memory_space<vmem>>) semaphore(%arg13 : memref<!tpu.dma_semaphore, #tpu.memory_space<semaphore_mem>>)
    %mul3A = arith.constant 632 : i32
    %mul3A_44 = arith.muli %arg1, %mul3A : i32
    "tpu.region"() ({
      %run_scoped3A_86 = tpu.sem_alloc : memref<!tpu.dma_semaphore, #tpu.memory_space<semaphore_mem>>
      %dma_start3A_87 = arith.constant 0 : i32
      %dma_start3A_88 = tpu.memref_slice %arg11[%mul3A_44, %dma_start3A_87] : memref<10112x64xf32, #tpu.memory_space<vmem_shared>> -> memref<632x64xf32, #tpu.memory_space<vmem_shared>>
      tpu.enqueue_dma source(%arg5 : memref<632x64xf32, #tpu.memory_space<hbm>>) target(%dma_start3A_88 : memref<632x64xf32, #tpu.memory_space<vmem_shared>>) target_semaphore(%run_scoped3A_86 : memref<!tpu.dma_semaphore, #tpu.memory_space<semaphore_mem>>)
      %dma_wait3A_89 = arith.constant 0 : i32
      %dma_wait3A_90 = tpu.memref_slice %arg11[%mul3A_44, %dma_wait3A_89] : memref<10112x64xf32, #tpu.memory_space<vmem_shared>> -> memref<632x64xf32, #tpu.memory_space<vmem_shared>>
      tpu.wait_dma2 semaphore(%run_scoped3A_86 : memref<!tpu.dma_semaphore, #tpu.memory_space<semaphore_mem>>) src(%arg5 : memref<632x64xf32, #tpu.memory_space<hbm>>) dst(%dma_wait3A_90 : memref<632x64xf32, #tpu.memory_space<vmem_shared>>)
      tpu.yield
    }) : () -> ()
    %dma_wait3A_45 = arith.constant 0 : i32
    %dma_wait3A_46 = arith.constant 0 : i32
    %dma_wait3A_47 = tpu.memref_slice %arg3[%arg1, %dma_wait3A_45, %dma_wait3A_46] : memref<16x158x128xi32, #tpu.memory_space<hbm>> -> memref<1x158x128xi32, #tpu.memory_space<hbm>>
    %dma_wait3A_48 = tpu.memref_squeeze %dma_wait3A_47 : memref<1x158x128xi32, #tpu.memory_space<hbm>> -> memref<158x128xi32, #tpu.memory_space<hbm>>
    %dma_wait3A_49 = arith.constant 0 : i32
    %dma_wait3A_50 = arith.constant 0 : i32
    %dma_wait3A_51 = tpu.memref_slice %arg3[%arg1, %dma_wait3A_49, %dma_wait3A_50] : memref<16x158x128xi32, #tpu.memory_space<hbm>> -> memref<1x158x128xi32, #tpu.memory_space<hbm>>
    %dma_wait3A_52 = tpu.memref_squeeze %dma_wait3A_51 : memref<1x158x128xi32, #tpu.memory_space<hbm>> -> memref<158x128xi32, #tpu.memory_space<hbm>>
    tpu.wait_dma2 semaphore(%arg15 : memref<!tpu.dma_semaphore, #tpu.memory_space<semaphore_mem>>) src(%dma_wait3A_52 : memref<158x128xi32, #tpu.memory_space<hbm>>) dst(%arg8 : memref<158x128xi32, #tpu.memory_space<vmem>>)
    %barrier3A = arith.constant 0 : index
    tpu.barrier barrier_id(%barrier3A)
    %scan3A = arith.constant 0 : i32
    %scan3A_53 = arith.constant 0 : i32
    %scan3A_54 = arith.constant 78 : i32
    %scan3A_55 = arith.addi %scan3A_53, %scan3A_54 : i32
    %scan3A_56 = arith.constant 1 : i32
    scf.for %scan3A_86 = %scan3A_53 to %scan3A_55 step %scan3A_56  : i32 {
      %mul3A_87 = arith.constant 2 : i32
      %mul3A_88 = arith.muli %mul3A_87, %scan3A_86 : i32
      %add3A = arith.constant 0 : i32
      %add3A_89 = arith.addi %mul3A_88, %add3A : i32
      %dma_wait3A_90 = arith.constant 0 : i32
      %dma_wait3A_91 = tpu.memref_slice %arg7[%add3A_89, %dma_wait3A_90] : memref<158x128xi32, #tpu.memory_space<vmem>> -> memref<1x128xi32, #tpu.memory_space<vmem>>
      %dma_wait3A_92 = tpu.memref_squeeze %dma_wait3A_91 : memref<1x128xi32, #tpu.memory_space<vmem>> -> memref<128xi32, #tpu.memory_space<vmem>>
      %dma_wait3A_93 = arith.constant 0 : i32
      %dma_wait3A_94 = arith.constant 0 : i32
      %dma_wait3A_95 = tpu.memref_slice %arg4[%arg0, %dma_wait3A_93, %dma_wait3A_94] : memref<2x10000x64xf32, #tpu.memory_space<hbm>> -> memref<1x10000x64xf32, #tpu.memory_space<hbm>>
      %dma_wait3A_96 = tpu.memref_squeeze %dma_wait3A_95 : memref<1x10000x64xf32, #tpu.memory_space<hbm>> -> memref<10000x64xf32, #tpu.memory_space<hbm>>
      %dma_wait3A_97 = arith.constant 0 : i32
      %dma_wait3A_98 = arith.constant 0 : i32
      %dma_wait3A_99 = tpu.memref_slice %dma_wait3A_96[%dma_wait3A_97, %dma_wait3A_98] : memref<10000x64xf32, #tpu.memory_space<hbm>> -> memref<10000x64xf32, #tpu.memory_space<hbm>>
      tpu.wait_indirect_dma semaphore(%arg12 : memref<!tpu.dma_semaphore, #tpu.memory_space<semaphore_mem>>) src(%dma_wait3A_99 : memref<10000x64xf32, #tpu.memory_space<hbm>>) dst(%arg9 : memref<128x64xf32, #tpu.memory_space<vmem>>)
      "tpu.region"() ({
        %run_scoped3A_138 = tpu.sem_alloc : memref<!tpu.dma_semaphore, #tpu.memory_space<semaphore_mem>>
        %dma_start3A_139 = arith.constant 0 : i32
        %dma_start3A_140 = tpu.memref_slice %arg8[%add3A_89, %dma_start3A_139] : memref<158x128xi32, #tpu.memory_space<vmem>> -> memref<1x128xi32, #tpu.memory_space<vmem>>
        %dma_start3A_141 = tpu.memref_squeeze %dma_start3A_140 : memref<1x128xi32, #tpu.memory_space<vmem>> -> memref<128xi32, #tpu.memory_space<vmem>>
        %dma_start3A_142 = arith.constant 0 : i32
        %dma_start3A_143 = arith.constant 0 : i32
        %dma_start3A_144 = tpu.memref_slice %arg11[%dma_start3A_142, %dma_start3A_143] : memref<10112x64xf32, #tpu.memory_space<vmem_shared>> -> memref<10112x64xf32, #tpu.memory_space<vmem_shared>>
        tpu.enqueue_indirect_dma source(%arg9 : memref<128x64xf32, #tpu.memory_space<vmem>>) target(%dma_start3A_144 : memref<10112x64xf32, #tpu.memory_space<vmem_shared>>) offsets(%dma_start3A_141 : memref<128xi32, #tpu.memory_space<vmem>>) semaphore(%run_scoped3A_138 : memref<!tpu.dma_semaphore, #tpu.memory_space<semaphore_mem>>) {add = true}
        %dma_wait3A_145 = arith.constant 0 : i32
        %dma_wait3A_146 = tpu.memref_slice %arg8[%add3A_89, %dma_wait3A_145] : memref<158x128xi32, #tpu.memory_space<vmem>> -> memref<1x128xi32, #tpu.memory_space<vmem>>
        %dma_wait3A_147 = tpu.memref_squeeze %dma_wait3A_146 : memref<1x128xi32, #tpu.memory_space<vmem>> -> memref<128xi32, #tpu.memory_space<vmem>>
        %dma_wait3A_148 = arith.constant 0 : i32
        %dma_wait3A_149 = arith.constant 0 : i32
        %dma_wait3A_150 = tpu.memref_slice %arg11[%dma_wait3A_148, %dma_wait3A_149] : memref<10112x64xf32, #tpu.memory_space<vmem_shared>> -> memref<10112x64xf32, #tpu.memory_space<vmem_shared>>
        tpu.wait_indirect_dma semaphore(%run_scoped3A_138 : memref<!tpu.dma_semaphore, #tpu.memory_space<semaphore_mem>>) src(%arg9 : memref<128x64xf32, #tpu.memory_space<vmem>>) dst(%dma_wait3A_150 : memref<10112x64xf32, #tpu.memory_space<vmem_shared>>)
        tpu.yield
      }) : () -> ()
      %add3A_100 = arith.constant 2 : i32
      %add3A_101 = arith.addi %add3A_89, %add3A_100 : i32
      %dma_start3A_102 = arith.constant 0 : i32
      %dma_start3A_103 = tpu.memref_slice %arg7[%add3A_101, %dma_start3A_102] : memref<158x128xi32, #tpu.memory_space<vmem>> -> memref<1x128xi32, #tpu.memory_space<vmem>>
      %dma_start3A_104 = tpu.memref_squeeze %dma_start3A_103 : memref<1x128xi32, #tpu.memory_space<vmem>> -> memref<128xi32, #tpu.memory_space<vmem>>
      %dma_start3A_105 = arith.constant 0 : i32
      %dma_start3A_106 = arith.constant 0 : i32
      %dma_start3A_107 = tpu.memref_slice %arg4[%arg0, %dma_start3A_105, %dma_start3A_106] : memref<2x10000x64xf32, #tpu.memory_space<hbm>> -> memref<1x10000x64xf32, #tpu.memory_space<hbm>>
      %dma_start3A_108 = tpu.memref_squeeze %dma_start3A_107 : memref<1x10000x64xf32, #tpu.memory_space<hbm>> -> memref<10000x64xf32, #tpu.memory_space<hbm>>
      %dma_start3A_109 = arith.constant 0 : i32
      %dma_start3A_110 = arith.constant 0 : i32
      %dma_start3A_111 = tpu.memref_slice %dma_start3A_108[%dma_start3A_109, %dma_start3A_110] : memref<10000x64xf32, #tpu.memory_space<hbm>> -> memref<10000x64xf32, #tpu.memory_space<hbm>>
      tpu.enqueue_indirect_dma source(%dma_start3A_111 : memref<10000x64xf32, #tpu.memory_space<hbm>>) target(%arg9 : memref<128x64xf32, #tpu.memory_space<vmem>>) offsets(%dma_start3A_104 : memref<128xi32, #tpu.memory_space<vmem>>) semaphore(%arg12 : memref<!tpu.dma_semaphore, #tpu.memory_space<semaphore_mem>>)
      %mul3A_112 = arith.constant 2 : i32
      %mul3A_113 = arith.muli %mul3A_112, %scan3A_86 : i32
      %add3A_114 = arith.constant 1 : i32
      %add3A_115 = arith.addi %mul3A_113, %add3A_114 : i32
      %dma_wait3A_116 = arith.constant 0 : i32
      %dma_wait3A_117 = tpu.memref_slice %arg7[%add3A_115, %dma_wait3A_116] : memref<158x128xi32, #tpu.memory_space<vmem>> -> memref<1x128xi32, #tpu.memory_space<vmem>>
      %dma_wait3A_118 = tpu.memref_squeeze %dma_wait3A_117 : memref<1x128xi32, #tpu.memory_space<vmem>> -> memref<128xi32, #tpu.memory_space<vmem>>
      %dma_wait3A_119 = arith.constant 0 : i32
      %dma_wait3A_120 = arith.constant 0 : i32
      %dma_wait3A_121 = tpu.memref_slice %arg4[%arg0, %dma_wait3A_119, %dma_wait3A_120] : memref<2x10000x64xf32, #tpu.memory_space<hbm>> -> memref<1x10000x64xf32, #tpu.memory_space<hbm>>
      %dma_wait3A_122 = tpu.memref_squeeze %dma_wait3A_121 : memref<1x10000x64xf32, #tpu.memory_space<hbm>> -> memref<10000x64xf32, #tpu.memory_space<hbm>>
      %dma_wait3A_123 = arith.constant 0 : i32
      %dma_wait3A_124 = arith.constant 0 : i32
      %dma_wait3A_125 = tpu.memref_slice %dma_wait3A_122[%dma_wait3A_123, %dma_wait3A_124] : memref<10000x64xf32, #tpu.memory_space<hbm>> -> memref<10000x64xf32, #tpu.memory_space<hbm>>
      tpu.wait_indirect_dma semaphore(%arg13 : memref<!tpu.dma_semaphore, #tpu.memory_space<semaphore_mem>>) src(%dma_wait3A_125 : memref<10000x64xf32, #tpu.memory_space<hbm>>) dst(%arg10 : memref<128x64xf32, #tpu.memory_space<vmem>>)
      "tpu.region"() ({
        %run_scoped3A_138 = tpu.sem_alloc : memref<!tpu.dma_semaphore, #tpu.memory_space<semaphore_mem>>
        %dma_start3A_139 = arith.constant 0 : i32
        %dma_start3A_140 = tpu.memref_slice %arg8[%add3A_115, %dma_start3A_139] : memref<158x128xi32, #tpu.memory_space<vmem>> -> memref<1x128xi32, #tpu.memory_space<vmem>>
        %dma_start3A_141 = tpu.memref_squeeze %dma_start3A_140 : memref<1x128xi32, #tpu.memory_space<vmem>> -> memref<128xi32, #tpu.memory_space<vmem>>
        %dma_start3A_142 = arith.constant 0 : i32
        %dma_start3A_143 = arith.constant 0 : i32
        %dma_start3A_144 = tpu.memref_slice %arg11[%dma_start3A_142, %dma_start3A_143] : memref<10112x64xf32, #tpu.memory_space<vmem_shared>> -> memref<10112x64xf32, #tpu.memory_space<vmem_shared>>
        tpu.enqueue_indirect_dma source(%arg10 : memref<128x64xf32, #tpu.memory_space<vmem>>) target(%dma_start3A_144 : memref<10112x64xf32, #tpu.memory_space<vmem_shared>>) offsets(%dma_start3A_141 : memref<128xi32, #tpu.memory_space<vmem>>) semaphore(%run_scoped3A_138 : memref<!tpu.dma_semaphore, #tpu.memory_space<semaphore_mem>>) {add = true}
        %dma_wait3A_145 = arith.constant 0 : i32
        %dma_wait3A_146 = tpu.memref_slice %arg8[%add3A_115, %dma_wait3A_145] : memref<158x128xi32, #tpu.memory_space<vmem>> -> memref<1x128xi32, #tpu.memory_space<vmem>>
        %dma_wait3A_147 = tpu.memref_squeeze %dma_wait3A_146 : memref<1x128xi32, #tpu.memory_space<vmem>> -> memref<128xi32, #tpu.memory_space<vmem>>
        %dma_wait3A_148 = arith.constant 0 : i32
        %dma_wait3A_149 = arith.constant 0 : i32
        %dma_wait3A_150 = tpu.memref_slice %arg11[%dma_wait3A_148, %dma_wait3A_149] : memref<10112x64xf32, #tpu.memory_space<vmem_shared>> -> memref<10112x64xf32, #tpu.memory_space<vmem_shared>>
        tpu.wait_indirect_dma semaphore(%run_scoped3A_138 : memref<!tpu.dma_semaphore, #tpu.memory_space<semaphore_mem>>) src(%arg10 : memref<128x64xf32, #tpu.memory_space<vmem>>) dst(%dma_wait3A_150 : memref<10112x64xf32, #tpu.memory_space<vmem_shared>>)
        tpu.yield
      }) : () -> ()
      %add3A_126 = arith.constant 2 : i32
      %add3A_127 = arith.addi %add3A_115, %add3A_126 : i32
      %dma_start3A_128 = arith.constant 0 : i32
      %dma_start3A_129 = tpu.memref_slice %arg7[%add3A_127, %dma_start3A_128] : memref<158x128xi32, #tpu.memory_space<vmem>> -> memref<1x128xi32, #tpu.memory_space<vmem>>
      %dma_start3A_130 = tpu.memref_squeeze %dma_start3A_129 : memref<1x128xi32, #tpu.memory_space<vmem>> -> memref<128xi32, #tpu.memory_space<vmem>>
      %dma_start3A_131 = arith.constant 0 : i32
      %dma_start3A_132 = arith.constant 0 : i32
      %dma_start3A_133 = tpu.memref_slice %arg4[%arg0, %dma_start3A_131, %dma_start3A_132] : memref<2x10000x64xf32, #tpu.memory_space<hbm>> -> memref<1x10000x64xf32, #tpu.memory_space<hbm>>
      %dma_start3A_134 = tpu.memref_squeeze %dma_start3A_133 : memref<1x10000x64xf32, #tpu.memory_space<hbm>> -> memref<10000x64xf32, #tpu.memory_space<hbm>>
      %dma_start3A_135 = arith.constant 0 : i32
      %dma_start3A_136 = arith.constant 0 : i32
      %dma_start3A_137 = tpu.memref_slice %dma_start3A_134[%dma_start3A_135, %dma_start3A_136] : memref<10000x64xf32, #tpu.memory_space<hbm>> -> memref<10000x64xf32, #tpu.memory_space<hbm>>
      tpu.enqueue_indirect_dma source(%dma_start3A_137 : memref<10000x64xf32, #tpu.memory_space<hbm>>) target(%arg10 : memref<128x64xf32, #tpu.memory_space<vmem>>) offsets(%dma_start3A_130 : memref<128xi32, #tpu.memory_space<vmem>>) semaphore(%arg13 : memref<!tpu.dma_semaphore, #tpu.memory_space<semaphore_mem>>)
    }
    %scan3A_57 = arith.constant 78 : i32
    %dma_wait3A_58 = arith.constant 156 : i32
    %dma_wait3A_59 = arith.constant 0 : i32
    %dma_wait3A_60 = tpu.memref_slice %arg7[%dma_wait3A_58, %dma_wait3A_59] : memref<158x128xi32, #tpu.memory_space<vmem>> -> memref<1x128xi32, #tpu.memory_space<vmem>>
    %dma_wait3A_61 = tpu.memref_squeeze %dma_wait3A_60 : memref<1x128xi32, #tpu.memory_space<vmem>> -> memref<128xi32, #tpu.memory_space<vmem>>
    %dma_wait3A_62 = arith.constant 0 : i32
    %dma_wait3A_63 = arith.constant 0 : i32
    %dma_wait3A_64 = tpu.memref_slice %arg4[%arg0, %dma_wait3A_62, %dma_wait3A_63] : memref<2x10000x64xf32, #tpu.memory_space<hbm>> -> memref<1x10000x64xf32, #tpu.memory_space<hbm>>
    %dma_wait3A_65 = tpu.memref_squeeze %dma_wait3A_64 : memref<1x10000x64xf32, #tpu.memory_space<hbm>> -> memref<10000x64xf32, #tpu.memory_space<hbm>>
    %dma_wait3A_66 = arith.constant 0 : i32
    %dma_wait3A_67 = arith.constant 0 : i32
    %dma_wait3A_68 = tpu.memref_slice %dma_wait3A_65[%dma_wait3A_66, %dma_wait3A_67] : memref<10000x64xf32, #tpu.memory_space<hbm>> -> memref<10000x64xf32, #tpu.memory_space<hbm>>
    tpu.wait_indirect_dma semaphore(%arg12 : memref<!tpu.dma_semaphore, #tpu.memory_space<semaphore_mem>>) src(%dma_wait3A_68 : memref<10000x64xf32, #tpu.memory_space<hbm>>) dst(%arg9 : memref<128x64xf32, #tpu.memory_space<vmem>>)
    %run_scoped3A = arith.constant 156 : i32
    "tpu.region"() ({
      %run_scoped3A_86 = tpu.sem_alloc : memref<!tpu.dma_semaphore, #tpu.memory_space<semaphore_mem>>
      %dma_start3A_87 = arith.constant 0 : i32
      %dma_start3A_88 = tpu.memref_slice %arg8[%run_scoped3A, %dma_start3A_87] : memref<158x128xi32, #tpu.memory_space<vmem>> -> memref<1x128xi32, #tpu.memory_space<vmem>>
      %dma_start3A_89 = tpu.memref_squeeze %dma_start3A_88 : memref<1x128xi32, #tpu.memory_space<vmem>> -> memref<128xi32, #tpu.memory_space<vmem>>
      %dma_start3A_90 = arith.constant 0 : i32
      %dma_start3A_91 = arith.constant 0 : i32
      %dma_start3A_92 = tpu.memref_slice %arg11[%dma_start3A_90, %dma_start3A_91] : memref<10112x64xf32, #tpu.memory_space<vmem_shared>> -> memref<10112x64xf32, #tpu.memory_space<vmem_shared>>
      tpu.enqueue_indirect_dma source(%arg9 : memref<128x64xf32, #tpu.memory_space<vmem>>) target(%dma_start3A_92 : memref<10112x64xf32, #tpu.memory_space<vmem_shared>>) offsets(%dma_start3A_89 : memref<128xi32, #tpu.memory_space<vmem>>) semaphore(%run_scoped3A_86 : memref<!tpu.dma_semaphore, #tpu.memory_space<semaphore_mem>>) {add = true}
      %dma_wait3A_93 = arith.constant 0 : i32
      %dma_wait3A_94 = tpu.memref_slice %arg8[%run_scoped3A, %dma_wait3A_93] : memref<158x128xi32, #tpu.memory_space<vmem>> -> memref<1x128xi32, #tpu.memory_space<vmem>>
      %dma_wait3A_95 = tpu.memref_squeeze %dma_wait3A_94 : memref<1x128xi32, #tpu.memory_space<vmem>> -> memref<128xi32, #tpu.memory_space<vmem>>
      %dma_wait3A_96 = arith.constant 0 : i32
      %dma_wait3A_97 = arith.constant 0 : i32
      %dma_wait3A_98 = tpu.memref_slice %arg11[%dma_wait3A_96, %dma_wait3A_97] : memref<10112x64xf32, #tpu.memory_space<vmem_shared>> -> memref<10112x64xf32, #tpu.memory_space<vmem_shared>>
      tpu.wait_indirect_dma semaphore(%run_scoped3A_86 : memref<!tpu.dma_semaphore, #tpu.memory_space<semaphore_mem>>) src(%arg9 : memref<128x64xf32, #tpu.memory_space<vmem>>) dst(%dma_wait3A_98 : memref<10112x64xf32, #tpu.memory_space<vmem_shared>>)
      tpu.yield
    }) : () -> ()
    %dma_wait3A_69 = arith.constant 157 : i32
    %dma_wait3A_70 = arith.constant 0 : i32
    %dma_wait3A_71 = tpu.memref_slice %arg7[%dma_wait3A_69, %dma_wait3A_70] : memref<158x128xi32, #tpu.memory_space<vmem>> -> memref<1x128xi32, #tpu.memory_space<vmem>>
    %dma_wait3A_72 = tpu.memref_squeeze %dma_wait3A_71 : memref<1x128xi32, #tpu.memory_space<vmem>> -> memref<128xi32, #tpu.memory_space<vmem>>
    %dma_wait3A_73 = arith.constant 0 : i32
    %dma_wait3A_74 = arith.constant 0 : i32
    %dma_wait3A_75 = tpu.memref_slice %arg4[%arg0, %dma_wait3A_73, %dma_wait3A_74] : memref<2x10000x64xf32, #tpu.memory_space<hbm>> -> memref<1x10000x64xf32, #tpu.memory_space<hbm>>
    %dma_wait3A_76 = tpu.memref_squeeze %dma_wait3A_75 : memref<1x10000x64xf32, #tpu.memory_space<hbm>> -> memref<10000x64xf32, #tpu.memory_space<hbm>>
    %dma_wait3A_77 = arith.constant 0 : i32
    %dma_wait3A_78 = arith.constant 0 : i32
    %dma_wait3A_79 = tpu.memref_slice %dma_wait3A_76[%dma_wait3A_77, %dma_wait3A_78] : memref<10000x64xf32, #tpu.memory_space<hbm>> -> memref<10000x64xf32, #tpu.memory_space<hbm>>
    tpu.wait_indirect_dma semaphore(%arg13 : memref<!tpu.dma_semaphore, #tpu.memory_space<semaphore_mem>>) src(%dma_wait3A_79 : memref<10000x64xf32, #tpu.memory_space<hbm>>) dst(%arg10 : memref<128x64xf32, #tpu.memory_space<vmem>>)
    %run_scoped3A_80 = arith.constant 157 : i32
    "tpu.region"() ({
      %run_scoped3A_86 = tpu.sem_alloc : memref<!tpu.dma_semaphore, #tpu.memory_space<semaphore_mem>>
      %dma_start3A_87 = arith.constant 0 : i32
      %dma_start3A_88 = tpu.memref_slice %arg8[%run_scoped3A_80, %dma_start3A_87] : memref<158x128xi32, #tpu.memory_space<vmem>> -> memref<1x128xi32, #tpu.memory_space<vmem>>
      %dma_start3A_89 = tpu.memref_squeeze %dma_start3A_88 : memref<1x128xi32, #tpu.memory_space<vmem>> -> memref<128xi32, #tpu.memory_space<vmem>>
      %dma_start3A_90 = arith.constant 0 : i32
      %dma_start3A_91 = arith.constant 0 : i32
      %dma_start3A_92 = tpu.memref_slice %arg11[%dma_start3A_90, %dma_start3A_91] : memref<10112x64xf32, #tpu.memory_space<vmem_shared>> -> memref<10112x64xf32, #tpu.memory_space<vmem_shared>>
      tpu.enqueue_indirect_dma source(%arg10 : memref<128x64xf32, #tpu.memory_space<vmem>>) target(%dma_start3A_92 : memref<10112x64xf32, #tpu.memory_space<vmem_shared>>) offsets(%dma_start3A_89 : memref<128xi32, #tpu.memory_space<vmem>>) semaphore(%run_scoped3A_86 : memref<!tpu.dma_semaphore, #tpu.memory_space<semaphore_mem>>) {add = true}
      %dma_wait3A_93 = arith.constant 0 : i32
      %dma_wait3A_94 = tpu.memref_slice %arg8[%run_scoped3A_80, %dma_wait3A_93] : memref<158x128xi32, #tpu.memory_space<vmem>> -> memref<1x128xi32, #tpu.memory_space<vmem>>
      %dma_wait3A_95 = tpu.memref_squeeze %dma_wait3A_94 : memref<1x128xi32, #tpu.memory_space<vmem>> -> memref<128xi32, #tpu.memory_space<vmem>>
      %dma_wait3A_96 = arith.constant 0 : i32
      %dma_wait3A_97 = arith.constant 0 : i32
      %dma_wait3A_98 = tpu.memref_slice %arg11[%dma_wait3A_96, %dma_wait3A_97] : memref<10112x64xf32, #tpu.memory_space<vmem_shared>> -> memref<10112x64xf32, #tpu.memory_space<vmem_shared>>
      tpu.wait_indirect_dma semaphore(%run_scoped3A_86 : memref<!tpu.dma_semaphore, #tpu.memory_space<semaphore_mem>>) src(%arg10 : memref<128x64xf32, #tpu.memory_space<vmem>>) dst(%dma_wait3A_98 : memref<10112x64xf32, #tpu.memory_space<vmem_shared>>)
      tpu.yield
    }) : () -> ()
    %barrier3A_81 = arith.constant 0 : index
    tpu.barrier barrier_id(%barrier3A_81)
    %mul3A_82 = arith.constant 632 : i32
    %mul3A_83 = arith.muli %arg1, %mul3A_82 : i32
    %mul3A_84 = arith.constant 632 : i32
    %mul3A_85 = arith.muli %arg1, %mul3A_84 : i32
    "tpu.region"() ({
      %run_scoped3A_86 = tpu.sem_alloc : memref<!tpu.dma_semaphore, #tpu.memory_space<semaphore_mem>>
      %dma_start3A_87 = arith.constant 0 : i32
      %dma_start3A_88 = tpu.memref_slice %arg6[%arg0, %mul3A_85, %dma_start3A_87] : memref<2x10112x64xf32, #tpu.memory_space<hbm>> -> memref<1x632x64xf32, #tpu.memory_space<hbm>>
      %dma_start3A_89 = tpu.memref_squeeze %dma_start3A_88 : memref<1x632x64xf32, #tpu.memory_space<hbm>> -> memref<632x64xf32, #tpu.memory_space<hbm>>
      %dma_start3A_90 = arith.constant 0 : i32
      %dma_start3A_91 = tpu.memref_slice %arg11[%mul3A_83, %dma_start3A_90] : memref<10112x64xf32, #tpu.memory_space<vmem_shared>> -> memref<632x64xf32, #tpu.memory_space<vmem_shared>>
      tpu.enqueue_dma source(%dma_start3A_91 : memref<632x64xf32, #tpu.memory_space<vmem_shared>>) target(%dma_start3A_89 : memref<632x64xf32, #tpu.memory_space<hbm>>) target_semaphore(%run_scoped3A_86 : memref<!tpu.dma_semaphore, #tpu.memory_space<semaphore_mem>>)
      %dma_wait3A_92 = arith.constant 0 : i32
      %dma_wait3A_93 = tpu.memref_slice %arg6[%arg0, %mul3A_85, %dma_wait3A_92] : memref<2x10112x64xf32, #tpu.memory_space<hbm>> -> memref<1x632x64xf32, #tpu.memory_space<hbm>>
      %dma_wait3A_94 = tpu.memref_squeeze %dma_wait3A_93 : memref<1x632x64xf32, #tpu.memory_space<hbm>> -> memref<632x64xf32, #tpu.memory_space<hbm>>
      %dma_wait3A_95 = arith.constant 0 : i32
      %dma_wait3A_96 = tpu.memref_slice %arg11[%mul3A_83, %dma_wait3A_95] : memref<10112x64xf32, #tpu.memory_space<vmem_shared>> -> memref<632x64xf32, #tpu.memory_space<vmem_shared>>
      tpu.wait_dma2 semaphore(%run_scoped3A_86 : memref<!tpu.dma_semaphore, #tpu.memory_space<semaphore_mem>>) src(%dma_wait3A_96 : memref<632x64xf32, #tpu.memory_space<vmem_shared>>) dst(%dma_wait3A_94 : memref<632x64xf32, #tpu.memory_space<hbm>>)
      tpu.yield
    }) : () -> ()
    return
  }
}

module attributes {stable_mosaic.version = 14 : i64} {
  func.func @_tc_body(%arg0: i32, %arg1: memref<2000x128xf32, #tpu.memory_space<vmem>>, %arg2: memref<2x1000x128xf32, #tpu.memory_space<vmem>>, %arg3: memref<128x128xf32, #tpu.memory_space<vmem>>, %arg4: memref<128x128xf32, #tpu.memory_space<vmem>>, %arg5: memref<1x128xf32, #tpu.memory_space<vmem>>, %arg6: memref<1x128xf32, #tpu.memory_space<vmem>>, %arg7: memref<1x256xf32, #tpu.memory_space<vmem>>, %arg8: memref<1x256xf32, #tpu.memory_space<vmem>>, %arg9: memref<2000x256xf32, #tpu.memory_space<vmem>>) attributes {dimension_semantics = [#tpu.dimension_semantics<arbitrary>], iteration_bounds = array<i64: 5>, scalar_prefetch = 0 : i64, scratch_operands = 0 : i64, tpu.core_type = #tpu.core_type<tc>, window_params = [{transform_indices = @transform_0, window_bounds = array<i64: 2000, 128>}, {transform_indices = @transform_1, window_bounds = array<i64: 2, 1000, 128>}, {pipeline_mode = #tpu.pipeline_mode<synchronous>, transform_indices = @transform_2, window_bounds = array<i64: 128, 128>}, {pipeline_mode = #tpu.pipeline_mode<synchronous>, transform_indices = @transform_3, window_bounds = array<i64: 128, 128>}, {pipeline_mode = #tpu.pipeline_mode<synchronous>, transform_indices = @transform_4, window_bounds = array<i64: 1, 128>}, {pipeline_mode = #tpu.pipeline_mode<synchronous>, transform_indices = @transform_5, window_bounds = array<i64: 1, 128>}, {pipeline_mode = #tpu.pipeline_mode<synchronous>, transform_indices = @transform_6, window_bounds = array<i64: 1, 256>}, {pipeline_mode = #tpu.pipeline_mode<synchronous>, transform_indices = @transform_7, window_bounds = array<i64: 1, 256>}, {transform_indices = @transform_8, window_bounds = array<i64: 2000, 256>}]} {
    %get3A = arith.constant 0 : index
    %get3A_0 = arith.constant 0 : index
    %get3A_1 = vector.load %arg1[%get3A, %get3A_0] : memref<2000x128xf32, #tpu.memory_space<vmem>>, vector<2000x128xf32>
    %get3A_2 = arith.constant 0 : index
    %get3A_3 = arith.constant 0 : index
    %get3A_4 = arith.constant 0 : index
    %get3A_5 = vector.load %arg2[%get3A_2, %get3A_3, %get3A_4] : memref<2x1000x128xf32, #tpu.memory_space<vmem>>, vector<1x1000x128xf32>
    %get3A_6 = vector.shape_cast %get3A_5 : vector<1x1000x128xf32> to vector<1000x128xf32>
    %slice3A = vector.extract_strided_slice %get3A_6 {offsets = [0, 0], sizes = [1000, 64], strides = [1, 1]} : vector<1000x128xf32> to vector<1000x64xf32>
    %slice3A_7 = vector.extract_strided_slice %get3A_6 {offsets = [0, 64], sizes = [1000, 64], strides = [1, 1]} : vector<1000x128xf32> to vector<1000x64xf32>
    %stack3A = vector.shape_cast %slice3A : vector<1000x64xf32> to vector<1000x1x64xf32>
    %stack3A_8 = vector.shape_cast %slice3A_7 : vector<1000x64xf32> to vector<1000x1x64xf32>
    %stack3A_9 = tpu.concatenate %stack3A, %stack3A_8 in 1 : vector<1000x1x64xf32>, vector<1000x1x64xf32> -> vector<1000x2x64xf32>
    %reshape3A = vector.shape_cast %stack3A_9 : vector<1000x2x64xf32> to vector<2000x64xf32>
    %get3A_10 = arith.constant 1 : index
    %get3A_11 = arith.constant 0 : index
    %get3A_12 = arith.constant 0 : index
    %get3A_13 = vector.load %arg2[%get3A_10, %get3A_11, %get3A_12] : memref<2x1000x128xf32, #tpu.memory_space<vmem>>, vector<1x1000x128xf32>
    %get3A_14 = vector.shape_cast %get3A_13 : vector<1x1000x128xf32> to vector<1000x128xf32>
    %slice3A_15 = vector.extract_strided_slice %get3A_14 {offsets = [0, 0], sizes = [1000, 64], strides = [1, 1]} : vector<1000x128xf32> to vector<1000x64xf32>
    %slice3A_16 = vector.extract_strided_slice %get3A_14 {offsets = [0, 64], sizes = [1000, 64], strides = [1, 1]} : vector<1000x128xf32> to vector<1000x64xf32>
    %stack3A_17 = vector.shape_cast %slice3A_15 : vector<1000x64xf32> to vector<1000x1x64xf32>
    %stack3A_18 = vector.shape_cast %slice3A_16 : vector<1000x64xf32> to vector<1000x1x64xf32>
    %stack3A_19 = tpu.concatenate %stack3A_17, %stack3A_18 in 1 : vector<1000x1x64xf32>, vector<1000x1x64xf32> -> vector<1000x2x64xf32>
    %reshape3A_20 = vector.shape_cast %stack3A_19 : vector<1000x2x64xf32> to vector<2000x64xf32>
    %concatenate3A = tpu.concatenate %reshape3A, %reshape3A_20 in 1 : vector<2000x64xf32>, vector<2000x64xf32> -> vector<2000x128xf32>
    %iota3A = tpu.iota {dimensions = array<i32: 0>} : vector<2000x1xi32>
    %eq3A = arith.constant 0 : i32
    %eq3A_21 = vector.broadcast %eq3A : i32 to vector<2000x1xi32>
    %eq3A_22 = arith.cmpi eq, %iota3A, %eq3A_21 : vector<2000x1xi32>
    %eq3A_23 = arith.constant 0 : i32
    %eq3A_24 = arith.cmpi eq, %arg0, %eq3A_23 : i32
    %and3A = vector.broadcast %eq3A_24 : i1 to vector<2000x1xi1>
    %and3A_25 = arith.andi %eq3A_22, %and3A : vector<2000x1xi1>
    %jit3A = arith.constant 3.584000e+03 : f32
    %jit3A_26 = arith.constant 0.000000e+00 : f32
    %broadcast_in_dim3A = vector.broadcast %jit3A : f32 to vector<2000x1xf32>
    %broadcast_in_dim3A_27 = vector.broadcast %jit3A_26 : f32 to vector<2000x1xf32>
    %select_n3A = arith.select %and3A_25, %broadcast_in_dim3A, %broadcast_in_dim3A_27 : vector<2000x1xi1>, vector<2000x1xf32>
    %mul3A = vector.broadcast %select_n3A : vector<2000x1xf32> to vector<2000x128xf32>
    %mul3A_28 = arith.mulf %mul3A, %get3A_1 : vector<2000x128xf32>
    %sub3A = arith.subf %concatenate3A, %mul3A_28 : vector<2000x128xf32>
    %get3A_29 = arith.constant 0 : index
    %get3A_30 = arith.constant 0 : index
    %get3A_31 = vector.load %arg3[%get3A_29, %get3A_30] : memref<128x128xf32, #tpu.memory_space<vmem>>, vector<128x128xf32>
    %dot_general3A = arith.constant dense<0.000000e+00> : vector<2000x128xf32>
    %dot_general3A_32 = tpu.matmul %get3A_1, %get3A_31, %dot_general3A {dimension_numbers = #tpu.dot_dimension_numbers<[1], [0], [0], [1], [0, 0, 1, 1], [], []>, transpose_lhs_hint = false} : vector<2000x128xf32>, vector<128x128xf32>, vector<2000x128xf32> -> vector<2000x128xf32>
    %get3A_33 = arith.constant 0 : index
    %get3A_34 = arith.constant 0 : index
    %get3A_35 = vector.load %arg5[%get3A_33, %get3A_34] : memref<1x128xf32, #tpu.memory_space<vmem>>, vector<1x128xf32>
    %add3A = vector.broadcast %get3A_35 : vector<1x128xf32> to vector<2000x128xf32>
    %add3A_36 = arith.addf %dot_general3A_32, %add3A : vector<2000x128xf32>
    %get3A_37 = arith.constant 0 : index
    %get3A_38 = arith.constant 0 : index
    %get3A_39 = vector.load %arg4[%get3A_37, %get3A_38] : memref<128x128xf32, #tpu.memory_space<vmem>>, vector<128x128xf32>
    %dot_general3A_40 = arith.constant dense<0.000000e+00> : vector<2000x128xf32>
    %dot_general3A_41 = tpu.matmul %sub3A, %get3A_39, %dot_general3A_40 {dimension_numbers = #tpu.dot_dimension_numbers<[1], [0], [0], [1], [0, 0, 1, 1], [], []>, transpose_lhs_hint = false} : vector<2000x128xf32>, vector<128x128xf32>, vector<2000x128xf32> -> vector<2000x128xf32>
    %get3A_42 = arith.constant 0 : index
    %get3A_43 = arith.constant 0 : index
    %get3A_44 = vector.load %arg6[%get3A_42, %get3A_43] : memref<1x128xf32, #tpu.memory_space<vmem>>, vector<1x128xf32>
    %add3A_45 = vector.broadcast %get3A_44 : vector<1x128xf32> to vector<2000x128xf32>
    %add3A_46 = arith.addf %dot_general3A_41, %add3A_45 : vector<2000x128xf32>
    %concatenate3A_47 = tpu.concatenate %add3A_36, %add3A_46 in 1 : vector<2000x128xf32>, vector<2000x128xf32> -> vector<2000x256xf32>
    %reduce_sum3A = arith.constant dense<0.000000e+00> : vector<2000xf32>
    %reduce_sum3A_48 = vector.multi_reduction <add>, %concatenate3A_47, %reduce_sum3A [1] : vector<2000x256xf32> to vector<2000xf32>
    %broadcast_in_dim3A_49 = vector.shape_cast %reduce_sum3A_48 : vector<2000xf32> to vector<2000x1xf32>
    %div3A = arith.constant 2.560000e+02 : f32
    %div3A_50 = vector.broadcast %div3A : f32 to vector<2000x1xf32>
    %div3A_51 = arith.divf %broadcast_in_dim3A_49, %div3A_50 : vector<2000x1xf32>
    %sub3A_52 = vector.broadcast %div3A_51 : vector<2000x1xf32> to vector<2000x256xf32>
    %sub3A_53 = arith.subf %concatenate3A_47, %sub3A_52 : vector<2000x256xf32>
    %sub3A_54 = vector.broadcast %div3A_51 : vector<2000x1xf32> to vector<2000x256xf32>
    %sub3A_55 = arith.subf %concatenate3A_47, %sub3A_54 : vector<2000x256xf32>
    %mul3A_56 = arith.mulf %sub3A_53, %sub3A_55 : vector<2000x256xf32>
    %reduce_sum3A_57 = arith.constant dense<0.000000e+00> : vector<2000xf32>
    %reduce_sum3A_58 = vector.multi_reduction <add>, %mul3A_56, %reduce_sum3A_57 [1] : vector<2000x256xf32> to vector<2000xf32>
    %broadcast_in_dim3A_59 = vector.shape_cast %reduce_sum3A_58 : vector<2000xf32> to vector<2000x1xf32>
    %div3A_60 = arith.constant 2.560000e+02 : f32
    %div3A_61 = vector.broadcast %div3A_60 : f32 to vector<2000x1xf32>
    %div3A_62 = arith.divf %broadcast_in_dim3A_59, %div3A_61 : vector<2000x1xf32>
    %sub3A_63 = vector.broadcast %div3A_51 : vector<2000x1xf32> to vector<2000x256xf32>
    %sub3A_64 = arith.subf %concatenate3A_47, %sub3A_63 : vector<2000x256xf32>
    %add3A_65 = arith.constant 9.99999974E-6 : f32
    %add3A_66 = vector.broadcast %add3A_65 : f32 to vector<2000x1xf32>
    %add3A_67 = arith.addf %div3A_62, %add3A_66 : vector<2000x1xf32>
    %rsqrt3A = math.rsqrt %add3A_67 : vector<2000x1xf32>
    %mul3A_68 = vector.broadcast %rsqrt3A : vector<2000x1xf32> to vector<2000x256xf32>
    %mul3A_69 = arith.mulf %sub3A_64, %mul3A_68 : vector<2000x256xf32>
    %get3A_70 = arith.constant 0 : index
    %get3A_71 = arith.constant 0 : index
    %get3A_72 = vector.load %arg7[%get3A_70, %get3A_71] : memref<1x256xf32, #tpu.memory_space<vmem>>, vector<1x256xf32>
    %mul3A_73 = vector.broadcast %get3A_72 : vector<1x256xf32> to vector<2000x256xf32>
    %mul3A_74 = arith.mulf %mul3A_69, %mul3A_73 : vector<2000x256xf32>
    %get3A_75 = arith.constant 0 : index
    %get3A_76 = arith.constant 0 : index
    %get3A_77 = vector.load %arg8[%get3A_75, %get3A_76] : memref<1x256xf32, #tpu.memory_space<vmem>>, vector<1x256xf32>
    %add3A_78 = vector.broadcast %get3A_77 : vector<1x256xf32> to vector<2000x256xf32>
    %add3A_79 = arith.addf %mul3A_74, %add3A_78 : vector<2000x256xf32>
    %swap3A = arith.constant 0 : index
    %swap3A_80 = arith.constant 0 : index
    %swap3A_81 = vector.load %arg9[%swap3A, %swap3A_80] : memref<2000x256xf32, #tpu.memory_space<vmem>>, vector<2000x256xf32>
    tpu.vector_store %arg9[%swap3A, %swap3A_80], %add3A_79 {strides = array<i32>} : memref<2000x256xf32, #tpu.memory_space<vmem>>, vector<2000x256xf32>,
    return
  }
  func.func @transform_0(%arg0: i32) -> (i32, i32) {
    %c0_i32 = arith.constant 0 : i32
    %c0_i32_0 = arith.constant 0 : i32
    return %arg0, %c0_i32 : i32, i32
  }
  func.func @transform_1(%arg0: i32) -> (i32, i32, i32) {
    %c0_i32 = arith.constant 0 : i32
    %c0_i32_0 = arith.constant 0 : i32
    %c0_i32_1 = arith.constant 0 : i32
    return %c0_i32, %arg0, %c0_i32_0 : i32, i32, i32
  }
  func.func @transform_2(%arg0: i32) -> (i32, i32) {
    %c0_i32 = arith.constant 0 : i32
    %c0_i32_0 = arith.constant 0 : i32
    %c0_i32_1 = arith.constant 0 : i32
    return %c0_i32, %c0_i32_0 : i32, i32
  }
  func.func @transform_3(%arg0: i32) -> (i32, i32) {
    %c0_i32 = arith.constant 0 : i32
    %c0_i32_0 = arith.constant 0 : i32
    %c0_i32_1 = arith.constant 0 : i32
    return %c0_i32, %c0_i32_0 : i32, i32
  }
  func.func @transform_4(%arg0: i32) -> (i32, i32) {
    %c0_i32 = arith.constant 0 : i32
    %c0_i32_0 = arith.constant 0 : i32
    %c0_i32_1 = arith.constant 0 : i32
    return %c0_i32, %c0_i32_0 : i32, i32
  }
  func.func @transform_5(%arg0: i32) -> (i32, i32) {
    %c0_i32 = arith.constant 0 : i32
    %c0_i32_0 = arith.constant 0 : i32
    %c0_i32_1 = arith.constant 0 : i32
    return %c0_i32, %c0_i32_0 : i32, i32
  }
  func.func @transform_6(%arg0: i32) -> (i32, i32) {
    %c0_i32 = arith.constant 0 : i32
    %c0_i32_0 = arith.constant 0 : i32
    %c0_i32_1 = arith.constant 0 : i32
    return %c0_i32, %c0_i32_0 : i32, i32
  }
  func.func @transform_7(%arg0: i32) -> (i32, i32) {
    %c0_i32 = arith.constant 0 : i32
    %c0_i32_0 = arith.constant 0 : i32
    %c0_i32_1 = arith.constant 0 : i32
    return %c0_i32, %c0_i32_0 : i32, i32
  }
  func.func @transform_8(%arg0: i32) -> (i32, i32) {
    %c0_i32 = arith.constant 0 : i32
    %c0_i32_0 = arith.constant 0 : i32
    return %arg0, %c0_i32 : i32, i32
  }
}

</mosaic_0001>

<sc_bundles>
// kernel: kernel.4.cloned.1.call-start
scs
__scs_entry_jumppad:
0x0: {  	(pc) =	sbr.rel $0x88, $3  }
0x1: {  	(tag) =	ssettag $0x0;
	lr =	simm.s32 $0x1  }
0x2: {  	[smem:$0x3F99] =	sst lr;
	_ =	strace $0xD0000000  }
0x3: {  	_ = 	snop  }
0x4: {  	_ = 	snop  }
0x5: {  	_ = 	snop  }
0x6: {  	_ = 	snop  }
0x7: {  	_ = 	snop  }
__scs_overlays_trampoline_lowered:
0x8: {  	[smem:$0x3FA8] =	sst s0  }
0x9: {  	[smem:$0x3FA9] =	sst s1  }
0xa: {  	[smem:$0x3FAA] =	sst s2  }
0xb: {  	[smem:$0x3FAB] =	sst s3  }
0xc: {  	[smem:$0x3FAC] =	sst s4  }
0xd: {  	[smem:$0x3FAD] =	sst s5  }
0xe: {  	[smem:$0x3FAE] =	sst s6  }
0xf: {  	[smem:$0x3FAF] =	sst s7  }
0x10: {  	[smem:$0x3FB0] =	sst s8  }
0x11: {  	[smem:$0x3FB1] =	sst s9;
	s0 =	simm.s32 @!p0 $0x0  }
0x12: {  	s1 =	sld [smem:$0x3F97];
	s0 =	simm.s32 @p0 $0x1  }
0x13: {  	[smem:$0x3FB2] =	sst s0;
	s0 =	simm.s32 @!p1 $0x0  }
0x14: {  	s2 =	sld [smem:$0x3F96];
	s0 =	simm.s32 @p1 $0x1  }
0x15: {  	[smem:$0x3FB3] =	sst s0;
	s0 =	simm.s32 @!p2 $0x0  }
0x16: {  	s3 =	sld [smem:$0x3FDB];
	s0 =	simm.s32 @p2 $0x1  }
0x17: {  	s4 =	simm.s32 $0x1BF5;
	[smem:$0x3FB5] =	sst s0  }
0x18: {  	s0 =	sld [smem:$0x3F98];
	_ =	swait.ge [sflag:s4], $0x0  }
0x19: {  	s7 =	sld [smem:$0x3F99]  }
0x1a: {  	s8 =	sadd.s32 $0xFFFFE003, lr  }
0x1b: {  	s9 =	sadd.s32 $0xFFFFFEF7, lr;
	s5 =	simm.s32 $0xFFFFFFFF;
	p2 =	slt.u32 s8, $0xFFFFF086  }
0x1c: {  	p1 =	slt.u32 s9, $0xF7A;
	s5 =	simm.s32 @!p2 $0x0  }
0x1d: {  	s5 =	simm.s32 @p1 $0x1;
	p0 =	seq.s32 s7, s2  }
0x1e: {  	s7 =	smul.u32 @!p0 $0xF7A, s2;
	p2 =	seq.s32 @!p0 s5, $0x0  }
0x1f: {  	s9 =	smul.u32 $0xF7A, s1;
	s8 =	simm.s32 @!p0 $0x1BF5;
	p2 =	por !p2, p0  }
0x20: {  	[sflag:s8] =	ssyncset.s32 @!p0 $0xFFFFF086;
	s6 =	sadd.s32 @!p0 s3, s7;
	s7 =	simm.s32 @!p0 $0x108  }
0x21: {  	s3 =	sadd.s32 s3, s9;
	s6 =	sadd.s32 @!p0 $0x88, s6;
	s7 =	simm.s32 @p2 $0x1082  }
0x22: {  	[simem:s7], [sflag:s8] =	dma.local @!p0 [hbm:s6], $0xF7A  }
0x23: {  	s9 =	sor.u32 $0xD0000000, s2;
	s6 =	simm.s32 $0x108;
	_ =	swait.ge @!p0 [sflag:s8], $0x0  }
0x24: {  	s3 =	sadd.s32 $0x88, s3;
	s6 =	simm.s32 @!p1 $0x1082;
	[sflag:s4] =	ssyncset.s32 $0xFFFFF086  }
0x25: {  	[simem:s6], [sflag:s4] =	dma.local [hbm:s3], $0xF7A  }
0x26: {  	[smem:$0x3F99] =	sst s1;
	(tag) =	ssettag s2;
	_ =	strace s9  }
0x27: {  	s1 =	sld [smem:$0x3FA9]  }
0x28: {  	s2 =	sld [smem:$0x3FAA]  }
0x29: {  	s4 =	sld [smem:$0x3FAC]  }
0x2a: {  	p0 =	seq.s32 s5, $0x0;
	s5 =	sld [smem:$0x3FAD]  }
0x2b: {  	s6 =	sld [smem:$0x3FAE]  }
0x2c: {  	s7 =	sld [smem:$0x3FAF]  }
0x2d: {  	s3 =	simm.s32 $0x108;
	s8 =	sld [smem:$0x3FB0]  }
0x2e: {  	s3 =	simm.s32 @!p0 $0x1082;
	s9 =	sld [smem:$0x3FB1]  }
0x2f: {  	lr =	sadd.s32 s0, s3;
	s0 =	sld [smem:$0x3FA8]  }
0x30: {  	s3 =	sld [smem:$0x3FAB]  }
0x31: {  	[smem:$0x3FB4] =	sst s10  }
0x32: {  	s10 =	sld [smem:$0x3FB2];
	_ =	sdelay $0x3  }
0x33: {  	p0 =	seq.s32 s10, $0x1;
	s10 =	sld [smem:$0x3FB4];
	_ =	sdelay $0x3  }
0x34: {  	[smem:$0x3FB4] =	sst s10  }
0x35: {  	s10 =	sld [smem:$0x3FB3];
	_ =	sdelay $0x3  }
0x36: {  	p1 =	seq.s32 s10, $0x1;
	s10 =	sld [smem:$0x3FB4];
	_ =	sdelay $0x3  }
0x37: {  	[smem:$0x3FB4] =	sst s10  }
0x38: {  	s10 =	sld [smem:$0x3FB5]  }
0x39: {  	_ = 	snop;
	(pc) =	sbr.ind lr, $3  }
0x3a: {  	_ = 	snop  }
0x3b: {  	_ = 	snop  }
0x3c: {  	p2 =	seq.s32 s10, $0x1;
	s10 =	sld [smem:$0x3FB4]  }
0x3d: {  	_ =	shalt  }
0x3e: {  	_ =	shalt  }
0x3f: {  	_ =	shalt  }
0x40: {  	_ =	shalt  }
0x41: {  	_ =	shalt  }
0x42: {  	_ =	shalt  }
0x43: {  	_ =	shalt  }
0x44: {  	_ =	shalt  }
0x45: {  	_ =	shalt  }
0x46: {  	_ =	shalt  }
0x47: {  	_ =	shalt  }
0x48: {  	_ =	shalt  }
0x49: {  	_ =	shalt  }
0x4a: {  	_ =	shalt  }
0x4b: {  	_ =	shalt  }
0x4c: {  	_ =	shalt  }
0x4d: {  	_ =	shalt  }
0x4e: {  	_ =	shalt  }
0x4f: {  	_ =	shalt  }
0x50: {  	_ =	shalt  }
0x51: {  	_ =	shalt  }
0x52: {  	_ =	shalt  }
0x53: {  	_ =	shalt  }
0x54: {  	_ =	shalt  }
0x55: {  	_ =	shalt  }
0x56: {  	_ =	shalt  }
0x57: {  	_ =	shalt  }
0x58: {  	_ =	shalt  }
0x59: {  	_ =	shalt  }
0x5a: {  	_ =	shalt  }
0x5b: {  	_ =	shalt  }
0x5c: {  	_ =	shalt  }
0x5d: {  	_ =	shalt  }
0x5e: {  	_ =	shalt  }
0x5f: {  	_ =	shalt  }
0x60: {  	_ =	shalt  }
0x61: {  	_ =	shalt  }
0x62: {  	_ =	shalt  }
0x63: {  	_ =	shalt  }
0x64: {  	_ =	shalt  }
0x65: {  	_ =	shalt  }
0x66: {  	_ =	shalt  }
0x67: {  	_ =	shalt  }
0x68: {  	_ =	shalt  }
0x69: {  	_ =	shalt  }
0x6a: {  	_ =	shalt  }
0x6b: {  	_ =	shalt  }
0x6c: {  	_ =	shalt  }
0x6d: {  	_ =	shalt  }
0x6e: {  	_ =	shalt  }
0x6f: {  	_ =	shalt  }
0x70: {  	_ =	shalt  }
0x71: {  	_ =	shalt  }
0x72: {  	_ =	shalt  }
0x73: {  	_ =	shalt  }
0x74: {  	_ =	shalt  }
0x75: {  	_ =	shalt  }
0x76: {  	_ =	shalt  }
0x77: {  	_ =	shalt  }
0x78: {  	_ =	shalt  }
0x79: {  	_ =	shalt  }
0x7a: {  	_ =	shalt  }
0x7b: {  	_ =	shalt  }
0x7c: {  	_ =	shalt  }
0x7d: {  	_ =	shalt  }
0x7e: {  	_ =	shalt  }
0x7f: {  	_ =	shalt  }
0x80: {  	_ =	shalt  }
0x81: {  	_ =	shalt  }
0x82: {  	_ =	shalt  }
0x83: {  	_ =	shalt  }
0x84: {  	_ =	shalt  }
0x85: {  	_ =	shalt  }
0x86: {  	_ =	shalt  }
0x87: {  	_ =	shalt  }
.Lfunc_end0:
.L_simem_size_0:
called_computation_lowered:
.L_overlay_start_0:
0x88: {  	s2 =	sld [smem:$0x3FD9]  }
0x89: {  	s3 =	sld [smem:$0x3FFE];
	_ =	sdelay $0x1  }
0x8a: {  	s1 =	srdreg.scid  }
0x8b: {  	s0 =	sand.u32 $0x1, s1  }
0x8c: {  	s17 =	sshll.u32 s0, $0xA;
	s2 =	sadd.s32 s3, s2  }
0x8d: {  	s2 =	sadd.s32 s2, s17  }
0x8e: {  	[smem:$0x3FC0] =	sst s2  }
0x8f: {  	_ = 	snop  }
0x90: {  	s2 =	sld [smem:$0x3FD0];
	(tm) =	ssettm $0x1  }
0x91: {  	s18 =	sld [smem:$0x3FFB];
	_ =	sdelay $0x3  }
0x92: {  	_ =	strace s18  }
0x93: {  	s3 =	sld [smem:$0x3FFC];
	_ =	sdelay $0x3  }
0x94: {  	_ =	strace s3  }
0x95: {  	s3 =	sld [smem:$0x3FFD];
	_ =	sdelay $0x3  }
0x96: {  	_ =	strace s3  }
0x97: {  	_ =	strace $0x8FFFFFFF  }
0x98: {  	s19 =	sld [smem:$0x3FDB];
	_ =	sdelay $0x1  }
0x99: {  	s4 =	simm.s32 $_scs_section_size  }
0x9a: {  	s5 =	simm.s32 $_size__tile_overlayer_lowered;
	s6 =	simm.s32 $_tile_overlayer_lowered  }
0x9b: {  	s22 =	simm.s32 $0x1BFF;
	s21 =	sshll.u32 s6, $0x1;
	s3 =	sadd.s32 s4, s19  }
0x9c: {  	s7 =	simm.s32 $0x0;
	s20 =	sshll.u32 s5, $0x1;
	s5 =	sadd.s32 s21, s3  }
0x9d: {  	[timem:s7], [sflag:s22] =	dma.local [hbm:s5], s20  }
0x9e: {  	_ =	swait.ge [sflag:s22], s20  }
0x9f: {  	s4 =	ssub.s32 $0x0, s20;
	[sflag:s22] =	ssyncset.done $0x0  }
0xa0: {  	[sflag:s22] =	ssyncadd.s32 s4;
	_ =	sdelay $0x1  }
0xa1: {  	s23 =	simm.s32 $0x1B8B  }
0xa2: {  	_ =	swait.ge [sflag:s23], $0x1  }
0xa3: {  	[sflag:s23] =	ssyncset.done $0x0  }
0xa4: {  	s25 =	simm.s32 $0x1B8E;
	s24 =	sld [smem:$0x3FFE];
	[sflag:s23] =	ssyncadd.s32 $0xFFFFFFFF  }
0xa5: {  	s26 =	simm.s32 $execute0_lowered;
	[smem:$0x3FD2] =	sst s25  }
0xa6: {  	s5 =	sshll.u32 s26, $0x1;
	_ =	strace $0x80000046;
	[dreg:$0x1] =	wrdreg $0xFFFFFFFF  }
0xa7: {  	s28 =	simm.s32 $_size_execute0_lowered;
	s3 =	sadd.s32 s3, s5;
	[dreg:$0x0] =	wrdreg $0x0  }
0xa8: {  	s5 =	sshll.u32 s28, $0x1;
	[dreg:$0x2] =	wrdreg s3  }
0xa9: {  	[dreg:$0x3] =	wrdreg s5  }
0xaa: {  	[dreg:$0x4] =	wrdreg $0xC0  }
0xab: {  	_ =	task [dreg:s7], $0x5FFFF  }
0xac: {  	[dreg:$0x1] =	wrdreg $0xFFFFFFFF  }
0xad: {  	[dreg:$0x0] =	wrdreg $0x60  }
0xae: {  	[dreg:$0x2] =	wrdreg s24  }
0xaf: {  	[dreg:$0x3] =	wrdreg s2  }
0xb0: {  	[dreg:$0x4] =	wrdreg $0xDE000  }
0xb1: {  	[dreg:$0x5] =	wrdreg $0x9  }
0xb2: {  	_ =	task.clear_ibuf [dreg:s7], $0x6FFFF;
	_ =	strace $0x90000046  }
0xb3: {  	s29 =	simm.s32 $0x9;
	_ =	strace $0x80000048  }
0xb4: {  	_ =	swait.ge [sflag:s29], $0x1  }
0xb5: {  	[sflag:s29] =	ssyncadd.s32 $0xFFFFFFFF  }
0xb6: {  	_ =	strace $0x90000048  }
0xb7: {  	_ =	sfence  }
0xb8: {  	s30 =	sld [smem:$0x0];
	_ =	sdelay $0x2  }
0xb9: {  	s31 =	sshll.u32 s1, $0xD;
	s1 =	sshrl.u32 s1, $0x2  }
0xba: {  	s3 =	sand.u32 $0x4000, s31;
	s1 =	sadd.s32 s1, s30  }
0xbb: {  	s0 =	sor.u32 s3, s0;
	s1 =	sshll.u32 s1, $0x11  }
0xbc: {  	s0 =	sor.u32 s1, s0  }
0xbd: {  	s0 =	sadd.s32 $0x8F2B, s0  }
0xbe: {  	[sflag:s0] =	ssyncadd.remote.s32 $0x1  }
0xbf: {  	_ =	sfence.sel $0xFFFF  }
0xc0: {  	[dreg:$0x0] =	wrdreg $0xFFFFFFFF;
	(pc) =	sbr.abs _section_cstart, $3  }
0xc1: {  	[dreg:$0x1] =	wrdreg $0xFFFFFFFF  }
0xc2: {  	_ =	task.clear_ibuf [dreg:s7], $0x2FFFF;
	_ =	strace $0x9FFFFFFF  }
0xc3: {  	(tm) =	ssettm $0x7FFFFFFF  }
tec
execute0_lowered:
.L_overlay_start_1:
0x0: {  	(tag) =	ssettag $0x1  }
0x1: {  	s4 =	rddreg [dreg:$0x0]  }
0x2: {  	s8 =	rddreg [dreg:$0x1]  }
0x3: {  	s2 =	rddreg [dreg:$0x2]  }
0x4: {  	s0 =	rddreg [dreg:$0x3]  }
0x5: {  	s1 =	stileid.u32;
	s5 =	srdreg.scid;
	s3 =	simm.s32 $0x0  }
0x6: {  	s12 =	simm.s32 $0x80;
	s13 =	simm.s32 $0x9E00;
	s14 =	simm.s32 $0xBE00  }
0x7: {  	s17 =	simm.s32 $0x5;
	s18 =	simm.s32 $0x4;
	s19 =	simm.s32 $0x1  }
0x8: {  	s20 =	simm.s32 $0x2;
	s21 =	simm.s32 $0x9D00;
	s22 =	simm.s32 $0x9D80  }
0x9: {  	s23 =	simm.s32 $0x0;
	s6 =	smul.u32 $0x9E0, s1;
	s5 =	sand.u32 $0x1, s5  }
0xa: {  	[smem:$0x7FF] =	sst s3;
	s9 =	smul.u32 $0x9E00, s1;
	s15 =	sshll.u32 s1, $0x6  }
0xb: {  	s7 =	smul.u32 $0x13880, s5;
	_ =	strace $0x80000047;
	s10 =	ssub.s32 $0x2, s5  }
0xc: {  	s11 =	smul.u32 $0x9E000, s5;
	s15 =	sor.u32 $0x1C05, s15;
	s6 =	sadd.s32 s6, s4  }
0xd: {  	s31 =	sshrl.u32 s10, $0x1;
	s16 =	sadd.s32 s9, s2;
	s7 =	sadd.s32 s7, s4  }
0xe: {  	s4 =	sadd.s32 $0x3C400, s4;
	s10 =	ssub.s32 s10, s31;
	s5 =	sadd.s32 $0xB400, s6  }
0xf: {  	s11 =	sadd.s32 s9, s11;
	s6 =	sadd.s32 $0x1600, s6;
	s16 =	sshrl.u32 s16, $0x3  }
0x10: {  	s7 =	sadd.s32 $0x15200, s7;
	s11 =	sshrl.u32 s11, $0x3;
	s9 =	smax.u32 s10, $0x1  }
0x11: {  	s10 =	simm.s32 $0x4F00;
	s8 =	sadd.s32 s8, s11;
	s11 =	simm.s32 $0x3  }
.LBB2_1:
0x12: {  	[tilespmem:s3], [sflag:$0x3] =	stream.linear.gather [hbm4b:s5+s3], $0x4F00, $0x38;
	[tilespmem:$0x17C00] =	vst v63  }
0x13: {  	_ = 	snop  }
0x14: {  	[tilespmem:s10], [sflag:$0x4] =	stream.linear.gather [hbm4b:s6+s3], $0x4F00, $0x38;
	[tilespmem:$0x17C00] =	vst v63  }
0x15: {  	_ =	swait.ge [sflag:s11], $0x4F00  }
0x16: {  	[sflag:s11] =	ssyncset.done $0x0  }
0x17: {  	[sflag:s11] =	ssyncadd.s32 $0xFFFFB100  }
0x18: {  	[tilespmem:s13], [sflag:$0x1] =	stream.indirect.gather [hbm4b:s7+s12], $0x40, s3, s12, $0xb8;
	[tilespmem:$0x17C00] =	vst v63  }
0x19: {  	_ = 	snop  }
0x1a: {  	[tilespmem:s14], [sflag:$0x2] =	stream.indirect.gather [hbm4b:s7+s12], $0x40, s12, s12, $0xb8;
	[tilespmem:$0x17C00] =	vst v63  }
0x1b: {  	[spmem:s16], [sflag:s15] =	dma.local [hbm:s4], $0x13C0  }
0x1c: {  	_ =	swait.ge [sflag:s17], $0x13C0  }
0x1d: {  	[sflag:s17] =	ssyncset.done $0x0  }
0x1e: {  	[sflag:s17] =	ssyncadd.s32 $0xFFFFEC40  }
0x1f: {  	_ =	swait.ge [sflag:s18], $0x4F00  }
0x20: {  	[sflag:s18] =	ssyncset.done $0x0  }
0x21: {  	[sflag:s18] =	ssyncadd.s32 $0xFFFFB100  }
0x22: {  	[bflag:$0x0] =	sbarrier.arrive $0xFFFF  }
0x23: {  	_ =	swait.ge [sflag:s19], $0x2000  }
0x24: {  	[sflag:s19] =	ssyncset.done $0x0  }
0x25: {  	s24 =	simm.s32 $0x4F00;
	[sflag:s19] =	ssyncadd.s32 $0xFFFFE000  }
0x26: {  	[spmem:s2] =	stream.indirect.scatter.add.f32 [tilespmem:s13], [sflag:$0x5], $0x40, s24, s12, $0xb8;
	[tilespmem:$0x17C00] =	vst v63  }
0x27: {  	_ =	swait.ge [sflag:s17], $0x2000  }
0x28: {  	[sflag:s17] =	ssyncset.done $0x0  }
0x29: {  	s30 =	simm.s32 $0x100;
	[sflag:s17] =	ssyncadd.s32 $0xFFFFE000  }
0x2a: {  	[tilespmem:s13], [sflag:$0x1] =	stream.indirect.gather [hbm4b:s7+s12], $0x40, s30, s12, $0xb8;
	[tilespmem:$0x17C00] =	vst v63  }
0x2b: {  	_ =	swait.ge [sflag:s20], $0x2000  }
0x2c: {  	[sflag:s20] =	ssyncset.done $0x0  }
0x2d: {  	s31 =	simm.s32 $0x4F80;
	[sflag:s20] =	ssyncadd.s32 $0xFFFFE000  }
0x2e: {  	[spmem:s2] =	stream.indirect.scatter.add.f32 [tilespmem:s14], [sflag:$0x5], $0x40, s31, s12, $0xb8;
	[tilespmem:$0x17C00] =	vst v63  }
0x2f: {  	_ =	swait.ge [sflag:s17], $0x2000  }
0x30: {  	[sflag:s17] =	ssyncset.done $0x0  }
0x31: {  	s25 =	simm.s32 $0x180;
	s24 =	simm.s32 $0x400;
	[sflag:s17] =	ssyncadd.s32 $0xFFFFE000  }
.LBB2_2:
0x32: {  	[tilespmem:s14], [sflag:$0x2] =	stream.indirect.gather [hbm4b:s7+s12], $0x40, s25, s12, $0xb8;
	[tilespmem:$0x17C00] =	vst v63  }
0x33: {  	s25 =	smov.u32 s24  }
0x34: {  	p0 =	sne.s32 s24, $0x13400;
	s24 =	sadd.s32 $0x400, s24;
	_ =	swait.ge [sflag:s19], $0x2000  }
0x35: {  	s25 =	sshra.s32 s25, $0x2;
	[sflag:s19] =	ssyncset.done $0x0  }
0x36: {  	s26 =	sadd.s32 $0x4F00, s25;
	[sflag:s19] =	ssyncadd.s32 $0xFFFFE000  }
0x37: {  	[spmem:s2] =	stream.indirect.scatter.add.f32 [tilespmem:s13], [sflag:$0x5], $0x40, s26, s12, $0xb8;
	[tilespmem:$0x17C00] =	vst v63  }
0x38: {  	_ =	swait.ge [sflag:s17], $0x2000  }
0x39: {  	[sflag:s17] =	ssyncset.done $0x0  }
0x3a: {  	s26 =	sadd.s32 $0x100, s25;
	[sflag:s17] =	ssyncadd.s32 $0xFFFFE000  }
0x3b: {  	[tilespmem:s13], [sflag:$0x1] =	stream.indirect.gather [hbm4b:s7+s12], $0x40, s26, s12, $0xb8;
	[tilespmem:$0x17C00] =	vst v63  }
0x3c: {  	_ =	swait.ge [sflag:s20], $0x2000  }
0x3d: {  	[sflag:s20] =	ssyncset.done $0x0  }
.Ltmp0:
0x3e: {  	s26 =	sadd.s32 $0x4F80, s25;
	[sflag:s20] =	ssyncadd.s32 $0xFFFFE000;
	(pc) =	sbr.rel @p0 .LBB2_2-.Ltmp0, $4  }
0x3f: {  	[spmem:s2] =	stream.indirect.scatter.add.f32 [tilespmem:s14], [sflag:$0x5], $0x40, s26, s12, $0xb8;
	[tilespmem:$0x17C00] =	vst v63  }
0x40: {  	_ =	swait.ge [sflag:s17], $0x2000  }
0x41: {  	[sflag:s17] =	ssyncset.done $0x0  }
0x42: {  	s25 =	sadd.s32 $0x180, s25;
	[sflag:s17] =	ssyncadd.s32 $0xFFFFE000  }
0x43: {  	[tilespmem:s14], [sflag:$0x2] =	stream.indirect.gather [hbm4b:s7+s12], $0x40, s25, s12, $0xb8;
	[tilespmem:$0x17C00] =	vst v63  }
0x44: {  	_ =	swait.ge [sflag:s19], $0x2000  }
0x45: {  	[sflag:s19] =	ssyncset.done $0x0  }
0x46: {  	[sflag:s19] =	ssyncadd.s32 $0xFFFFE000  }
0x47: {  	[spmem:s2] =	stream.indirect.scatter.add.f32 [tilespmem:s13], [sflag:$0x5], $0x40, s21, s12, $0xb8;
	[tilespmem:$0x17C00] =	vst v63  }
0x48: {  	_ =	swait.ge [sflag:s17], $0x2000  }
0x49: {  	[sflag:s17] =	ssyncset.done $0x0  }
0x4a: {  	[sflag:s17] =	ssyncadd.s32 $0xFFFFE000  }
0x4b: {  	_ =	swait.ge [sflag:s20], $0x2000  }
0x4c: {  	[sflag:s20] =	ssyncset.done $0x0  }
0x4d: {  	[sflag:s20] =	ssyncadd.s32 $0xFFFFE000  }
0x4e: {  	[spmem:s2] =	stream.indirect.scatter.add.f32 [tilespmem:s14], [sflag:$0x5], $0x40, s22, s12, $0xb8;
	[tilespmem:$0x17C00] =	vst v63  }
0x4f: {  	_ =	swait.ge [sflag:s17], $0x2000  }
0x50: {  	s23 =	sadd.s32 $0x1, s23;
	[sflag:s17] =	ssyncset.done $0x0  }
0x51: {  	p0 =	sne.s32 s23, s9;
	[sflag:s17] =	ssyncadd.s32 $0xFFFFE000  }
.Ltmp1:
0x52: {  	[bflag:$0x0] =	sbarrier.arrive $0xFFFF;
	(pc) =	sbr.rel @p0 .LBB2_1-.Ltmp1, $4  }
0x53: {  	[hbm:s8], [sflag:s15] =	dma.local [spmem:s16], $0x13C0  }
0x54: {  	_ =	swait.ge [sflag:s17], $0x13C0  }
0x55: {  	[sflag:s17] =	ssyncset.done $0x0  }
0x56: {  	[sflag:s17] =	ssyncadd.s32 $0xFFFFEC40  }
0x57: {  	_ =	sfence.sel $0x180000  }
0x58: {  	[bflag:$0x0] =	sbarrier.arrive $0xFFFF  }
0x59: {  	p0 =	sne.s32 s1, $0x0;
	_ =	strace $0x90000047  }
0x5a: {  	s0 =	sadd.s32 @!p0 $0x100000, s0;
	[bflag:$0x2] =	sbarrier.arrive $0xFFFF  }
0x5b: {  	[sflag:s0] =	ssyncadd.tile.s32 @!p0 $0x1;
	_ =	shalt  }
.Lfunc_end2:
_tile_overlayer_lowered:
.L_overlay_start_2:
0x5c: {  	(tag) =	ssettag $0x2  }
0x5d: {  	s0 =	rddreg [dreg:$0x0];
	s2 =	stileid.u32  }
0x5e: {  	s1 =	rddreg [dreg:$0x1];
	p0 =	sne.s32 s2, $0x0  }
0x5f: {  	s3 =	rddreg [dreg:$0x2];
	[bflag:$0x3] =	sbarrier.arrive $0xFFFF;
	s2 =	simm.s32 @!p0 $0x1C05  }
0x60: {  	[timem:s3], [sflag:s2] =	dma.local @!p0 [hbm:s0], s1  }
0x61: {  	s0 =	simm.s32 @!p0 $0x5  }
0x62: {  	_ =	swait.ge @!p0 [sflag:s0], s1  }
0x63: {  	s1 =	ssub.s32 @!p0 $0x0, s1;
	[sflag:s0] =	ssyncset.done @!p0 $0x0  }
0x64: {  	[sflag:s0] =	ssyncadd.s32 @!p0 s1  }
0x65: {  	[bflag:$0x3] =	sbarrier.arrive $0xFFFF  }
0x66: {  	_ =	shalt  }

</sc_bundles>
